<compile_context>
chip_gen: v7x
topology: tpu7x:2x2x1
jax: 0.10.2.dev20260603
libtpu: 0.0.44.dev20260713+nightly
codegen_flags: <defaults>
</compile_context>

<pallas_src>
import functools

import jax
import jax.numpy as jnp
import numpy as np
from jax import lax
from jax.experimental import pallas as pl
from jax.experimental.pallas import tpu as pltpu
from jax.experimental.pallas import tpu_sc as plsc

_NC = 2
_NS = 16
_NW = _NC * _NS

_PERM_CACHE = {}


def _tf2x32(k1, k2, x0, x1):
    rot = ((13, 15, 26, 6), (17, 29, 16, 24))
    ks = (np.uint32(k1), np.uint32(k2),
          np.uint32(k1) ^ np.uint32(k2) ^ np.uint32(0x1BD11BDA))
    x0 = (x0 + ks[0]).astype(np.uint32)
    x1 = (x1 + ks[1]).astype(np.uint32)
    for i in range(5):
        for r in rot[i % 2]:
            x0 = (x0 + x1).astype(np.uint32)
            x1 = ((x1 << np.uint32(r)) | (x1 >> np.uint32(32 - r))).astype(np.uint32)
            x1 = x0 ^ x1
        x0 = (x0 + ks[(i + 1) % 3]).astype(np.uint32)
        x1 = (x1 + ks[(i + 2) % 3] + np.uint32(i + 1)).astype(np.uint32)
    return x0, x1


def _perm_const(n: int) -> np.ndarray:
    if n not in _PERM_CACHE:
        key = (np.uint32(0), np.uint32(42))
        x = np.arange(n, dtype=np.int32)
        num_rounds = int(np.ceil(3 * np.log(max(1, n)) / np.log(2**32 - 1)))
        for _ in range(num_rounds):
            b1, b2 = _tf2x32(key[0], key[1], np.zeros(2, np.uint32),
                             np.arange(2, dtype=np.uint32))
            key, subkey = (b1[0], b2[0]), (b1[1], b2[1])
            s1, s2 = _tf2x32(subkey[0], subkey[1], np.zeros(n, np.uint32),
                             np.arange(n, dtype=np.uint32))
            x = x[np.argsort(s1 ^ s2, kind="stable")]
        _PERM_CACHE[n] = x
    return _PERM_CACHE[n]


def _make_gather(n: int, d: int):
    chunk = 112
    nch_w = 28
    span = chunk * nch_w
    assert span * _NW >= n and span % 8 == 0 and chunk % 8 == 0
    mesh = plsc.VectorSubcoreMesh(core_axis_name="c", subcore_axis_name="s")

    @functools.partial(
        pl.kernel,
        mesh=mesh,
        out_type=jax.ShapeDtypeStruct((n, d), jnp.float32),
        scratch_types=[
            pltpu.VMEM((span,), jnp.int32),
            pltpu.VMEM((chunk, d), jnp.float32),
            pltpu.VMEM((chunk, d), jnp.float32),
            pltpu.SemaphoreType.DMA,
            pltpu.SemaphoreType.DMA,
        ],
    )
    def shuffle_k(x_hbm, perm_hbm, out_hbm, idx_v, rows0, rows1, sem0, sem1):
        wid = lax.axis_index("s") * _NC + lax.axis_index("c")
        rows = (rows0, rows1)
        sems = (sem0, sem1)
        base_w = jnp.minimum(wid * span, n - span)
        base_w = pl.multiple_of(base_w, 8)
        pltpu.sync_copy(perm_hbm.at[pl.ds(base_w, span)], idx_v)

        def start_gather(j, b):
            off = pl.multiple_of(j * chunk, 8)
            pltpu.async_copy(x_hbm.at[idx_v.at[pl.ds(off, chunk)]],
                             rows[b], sems[b])

        def wait_gather(b):
            pltpu.make_async_copy(x_hbm.at[pl.ds(0, chunk)], rows[b],
                                  sems[b]).wait()

        start_gather(0, 0)
        start_gather(1, 1)

        def body(jj, carry):
            for b in range(2):
                j = jj * 2 + b
                wait_gather(b)
                off = pl.multiple_of(base_w + j * chunk, 8)
                pltpu.sync_copy(rows[b], out_hbm.at[pl.ds(off, chunk)])

                @pl.when(j + 2 < nch_w)
                def _():
                    start_gather(j + 2, b)

            return carry

        lax.fori_loop(0, nch_w // 2, body, 0)

    return shuffle_k


def kernel(X):
    n, d = X.shape
    perm = jnp.asarray(_perm_const(n))
    return _make_gather(n, d)(X, perm)

# --- scband reference (transcript-rebuilt; emitter-appended) ---
"""Pipeline reference for scband-shuffle-13262859010410 (READ-ONLY COPY).

The authoritative reference and input builder live on the scoring server;
editing this copy changes nothing except your own understanding.
"""

import jax, jax.numpy as jnp
import numpy as np

N = 100000
D = 512

def setup_inputs(seed: int = 0) -> dict:
    key = jax.random.key(seed)
    X = jax.random.normal(jax.random.fold_in(key, 0), (N, D), dtype=jnp.float32)
    return {"X": X}

def reference(X):
    # torch.randperm(N) analogue with a fixed seed for determinism;
    # forward is a pure row gather: X[rand_idx]
    perm = jax.random.permutation(jax.random.key(42), X.shape[0])
    return jnp.take(X, perm, axis=0)

if __name__ == "__main__":
    import jax
    _d = setup_inputs()
    print(jax.jit(kernel)(*tuple(_d.values())))

</pallas_src>

<mosaic_0001>
#map = affine_map<(d0, d1) -> (0, 0)>
#map1 = affine_map<(d0, d1) -> (0)>
module attributes {stable_mosaic.version = 14 : i64} {
  func.func @shuffle_k(%arg0: i32, %arg1: i32, %arg2: memref<100000x512xf32, #tpu.memory_space<hbm>>, %arg3: memref<100000xi32, #tpu.memory_space<hbm>>, %arg4: memref<100000x512xf32, #tpu.memory_space<hbm>>, %arg5: memref<3136xi32, #tpu.memory_space<vmem>>, %arg6: memref<112x512xf32, #tpu.memory_space<vmem>>, %arg7: memref<112x512xf32, #tpu.memory_space<vmem>>, %arg8: memref<!tpu.dma_semaphore, #tpu.memory_space<semaphore_mem>>, %arg9: memref<!tpu.dma_semaphore, #tpu.memory_space<semaphore_mem>>) attributes {dimension_semantics = [#tpu.dimension_semantics<core_parallel>, #tpu.dimension_semantics<subcore_parallel>], iteration_bounds = array<i64: 2, 16>, scalar_prefetch = 0 : i64, scratch_operands = 5 : i64, tpu.core_type = #tpu.core_type<sc_vector_subcore>, window_params = [{transform_indices = #map}, {transform_indices = #map1}, {transform_indices = #map}]} {
    %mul3A = arith.constant 2 : i32
    %mul3A_0 = arith.muli %arg1, %mul3A : i32
    %add3A = arith.addi %mul3A_0, %arg0 : i32
    %mul3A_1 = arith.constant 3136 : i32
    %mul3A_2 = arith.muli %add3A, %mul3A_1 : i32
    %min3A = arith.constant 96864 : i32
    %min3A_3 = arith.minsi %mul3A_2, %min3A : i32
    %multiple_of3A = tpu.assume_multiple %min3A_3, 8 : i32
    "tpu.region"() ({
      %run_scoped3A = tpu.sem_alloc : memref<!tpu.dma_semaphore, #tpu.memory_space<semaphore_mem>>
      %dma_start3A_20 = tpu.memref_slice %arg3[%multiple_of3A] : memref<100000xi32, #tpu.memory_space<hbm>> -> memref<3136xi32, #tpu.memory_space<hbm>>
      %dma_start3A_21 = tpu.memref_slice %arg3[%multiple_of3A] : memref<100000xi32, #tpu.memory_space<hbm>> -> memref<3136xi32, #tpu.memory_space<hbm>>
      tpu.enqueue_dma source(%dma_start3A_21 : memref<3136xi32, #tpu.memory_space<hbm>>) target(%arg5 : memref<3136xi32, #tpu.memory_space<vmem>>) target_semaphore(%run_scoped3A : memref<!tpu.dma_semaphore, #tpu.memory_space<semaphore_mem>>)
      %dma_wait3A = tpu.memref_slice %arg3[%multiple_of3A] : memref<100000xi32, #tpu.memory_space<hbm>> -> memref<3136xi32, #tpu.memory_space<hbm>>
      %dma_wait3A_22 = tpu.memref_slice %arg3[%multiple_of3A] : memref<100000xi32, #tpu.memory_space<hbm>> -> memref<3136xi32, #tpu.memory_space<hbm>>
      tpu.wait_dma2 semaphore(%run_scoped3A : memref<!tpu.dma_semaphore, #tpu.memory_space<semaphore_mem>>) src(%dma_wait3A_22 : memref<3136xi32, #tpu.memory_space<hbm>>) dst(%arg5 : memref<3136xi32, #tpu.memory_space<vmem>>)
      tpu.yield
    }) : () -> ()
    %multiple_of3A_4 = arith.constant 0 : i32
    %multiple_of3A_5 = tpu.assume_multiple %multiple_of3A_4, 8 : i32
    %dma_start3A = tpu.memref_slice %arg5[%multiple_of3A_5] : memref<3136xi32, #tpu.memory_space<vmem>> -> memref<112xi32, #tpu.memory_space<vmem>>
    %dma_start3A_6 = arith.constant 0 : i32
    %dma_start3A_7 = arith.constant 0 : i32
    %dma_start3A_8 = tpu.memref_slice %arg2[%dma_start3A_6, %dma_start3A_7] : memref<100000x512xf32, #tpu.memory_space<hbm>> -> memref<100000x512xf32, #tpu.memory_space<hbm>>
    tpu.enqueue_indirect_dma source(%dma_start3A_8 : memref<100000x512xf32, #tpu.memory_space<hbm>>) target(%arg6 : memref<112x512xf32, #tpu.memory_space<vmem>>) offsets(%dma_start3A : memref<112xi32, #tpu.memory_space<vmem>>) semaphore(%arg8 : memref<!tpu.dma_semaphore, #tpu.memory_space<semaphore_mem>>)
    %multiple_of3A_9 = arith.constant 112 : i32
    %multiple_of3A_10 = tpu.assume_multiple %multiple_of3A_9, 8 : i32
    %dma_start3A_11 = tpu.memref_slice %arg5[%multiple_of3A_10] : memref<3136xi32, #tpu.memory_space<vmem>> -> memref<112xi32, #tpu.memory_space<vmem>>
    %dma_start3A_12 = arith.constant 0 : i32
    %dma_start3A_13 = arith.constant 0 : i32
    %dma_start3A_14 = tpu.memref_slice %arg2[%dma_start3A_12, %dma_start3A_13] : memref<100000x512xf32, #tpu.memory_space<hbm>> -> memref<100000x512xf32, #tpu.memory_space<hbm>>
    tpu.enqueue_indirect_dma source(%dma_start3A_14 : memref<100000x512xf32, #tpu.memory_space<hbm>>) target(%arg7 : memref<112x512xf32, #tpu.memory_space<vmem>>) offsets(%dma_start3A_11 : memref<112xi32, #tpu.memory_space<vmem>>) semaphore(%arg9 : memref<!tpu.dma_semaphore, #tpu.memory_space<semaphore_mem>>)
    %scan3A = arith.constant 0 : i32
    %scan3A_15 = arith.constant 0 : i32
    %scan3A_16 = arith.constant 14 : i32
    %scan3A_17 = arith.addi %scan3A_15, %scan3A_16 : i32
    %scan3A_18 = arith.constant 1 : i32
    scf.for %scan3A_20 = %scan3A_15 to %scan3A_17 step %scan3A_18  : i32 {
      %mul3A_21 = arith.constant 2 : i32
      %mul3A_22 = arith.muli %scan3A_20, %mul3A_21 : i32
      %add3A_23 = arith.constant 0 : i32
      %add3A_24 = arith.addi %mul3A_22, %add3A_23 : i32
      %dma_wait3A = arith.constant 0 : i32
      %dma_wait3A_25 = arith.constant 0 : i32
      %dma_wait3A_26 = tpu.memref_slice %arg2[%dma_wait3A, %dma_wait3A_25] : memref<100000x512xf32, #tpu.memory_space<hbm>> -> memref<112x512xf32, #tpu.memory_space<hbm>>
      %dma_wait3A_27 = arith.constant 0 : i32
      %dma_wait3A_28 = arith.constant 0 : i32
      %dma_wait3A_29 = tpu.memref_slice %arg2[%dma_wait3A_27, %dma_wait3A_28] : memref<100000x512xf32, #tpu.memory_space<hbm>> -> memref<112x512xf32, #tpu.memory_space<hbm>>
      tpu.wait_dma2 semaphore(%arg8 : memref<!tpu.dma_semaphore, #tpu.memory_space<semaphore_mem>>) src(%dma_wait3A_29 : memref<112x512xf32, #tpu.memory_space<hbm>>) dst(%arg6 : memref<112x512xf32, #tpu.memory_space<vmem>>)
      %mul3A_30 = arith.constant 112 : i32
      %mul3A_31 = arith.muli %add3A_24, %mul3A_30 : i32
      %add3A_32 = arith.addi %multiple_of3A, %mul3A_31 : i32
      %multiple_of3A_33 = tpu.assume_multiple %add3A_32, 8 : i32
      "tpu.region"() ({
        %run_scoped3A = tpu.sem_alloc : memref<!tpu.dma_semaphore, #tpu.memory_space<semaphore_mem>>
        %dma_start3A_59 = arith.constant 0 : i32
        %dma_start3A_60 = tpu.memref_slice %arg4[%multiple_of3A_33, %dma_start3A_59] : memref<100000x512xf32, #tpu.memory_space<hbm>> -> memref<112x512xf32, #tpu.memory_space<hbm>>
        %dma_start3A_61 = arith.constant 0 : i32
        %dma_start3A_62 = tpu.memref_slice %arg4[%multiple_of3A_33, %dma_start3A_61] : memref<100000x512xf32, #tpu.memory_space<hbm>> -> memref<112x512xf32, #tpu.memory_space<hbm>>
        tpu.enqueue_dma source(%arg6 : memref<112x512xf32, #tpu.memory_space<vmem>>) target(%dma_start3A_62 : memref<112x512xf32, #tpu.memory_space<hbm>>) target_semaphore(%run_scoped3A : memref<!tpu.dma_semaphore, #tpu.memory_space<semaphore_mem>>)
        %dma_wait3A_63 = arith.constant 0 : i32
        %dma_wait3A_64 = tpu.memref_slice %arg4[%multiple_of3A_33, %dma_wait3A_63] : memref<100000x512xf32, #tpu.memory_space<hbm>> -> memref<112x512xf32, #tpu.memory_space<hbm>>
        %dma_wait3A_65 = arith.constant 0 : i32
        %dma_wait3A_66 = tpu.memref_slice %arg4[%multiple_of3A_33, %dma_wait3A_65] : memref<100000x512xf32, #tpu.memory_space<hbm>> -> memref<112x512xf32, #tpu.memory_space<hbm>>
        tpu.wait_dma2 semaphore(%run_scoped3A : memref<!tpu.dma_semaphore, #tpu.memory_space<semaphore_mem>>) src(%arg6 : memref<112x512xf32, #tpu.memory_space<vmem>>) dst(%dma_wait3A_66 : memref<112x512xf32, #tpu.memory_space<hbm>>)
        tpu.yield
      }) : () -> ()
      %add3A_34 = arith.constant 2 : i32
      %add3A_35 = arith.addi %add3A_24, %add3A_34 : i32
      %lt3A = arith.constant 28 : i32
      %lt3A_36 = arith.cmpi slt, %add3A_35, %lt3A : i32
      %convert_element_type3A = arith.extui %lt3A_36 : i1 to i32
      %cond3A = arith.constant 0 : i32
      %cond3A_37 = arith.cmpi ne, %convert_element_type3A, %cond3A : i32
      scf.if %cond3A_37 {
        %add3A_59 = arith.constant 2 : i32
        %add3A_60 = arith.addi %add3A_24, %add3A_59 : i32
        %mul3A_61 = arith.constant 112 : i32
        %mul3A_62 = arith.muli %add3A_60, %mul3A_61 : i32
        %multiple_of3A_63 = tpu.assume_multiple %mul3A_62, 8 : i32
        %dma_start3A_64 = tpu.memref_slice %arg5[%multiple_of3A_63] : memref<3136xi32, #tpu.memory_space<vmem>> -> memref<112xi32, #tpu.memory_space<vmem>>
        %dma_start3A_65 = arith.constant 0 : i32
        %dma_start3A_66 = arith.constant 0 : i32
        %dma_start3A_67 = tpu.memref_slice %arg2[%dma_start3A_65, %dma_start3A_66] : memref<100000x512xf32, #tpu.memory_space<hbm>> -> memref<100000x512xf32, #tpu.memory_space<hbm>>
        tpu.enqueue_indirect_dma source(%dma_start3A_67 : memref<100000x512xf32, #tpu.memory_space<hbm>>) target(%arg6 : memref<112x512xf32, #tpu.memory_space<vmem>>) offsets(%dma_start3A_64 : memref<112xi32, #tpu.memory_space<vmem>>) semaphore(%arg8 : memref<!tpu.dma_semaphore, #tpu.memory_space<semaphore_mem>>)
      } else {
      }
      %mul3A_38 = arith.constant 2 : i32
      %mul3A_39 = arith.muli %scan3A_20, %mul3A_38 : i32
      %add3A_40 = arith.constant 1 : i32
      %add3A_41 = arith.addi %mul3A_39, %add3A_40 : i32
      %dma_wait3A_42 = arith.constant 0 : i32
      %dma_wait3A_43 = arith.constant 0 : i32
      %dma_wait3A_44 = tpu.memref_slice %arg2[%dma_wait3A_42, %dma_wait3A_43] : memref<100000x512xf32, #tpu.memory_space<hbm>> -> memref<112x512xf32, #tpu.memory_space<hbm>>
      %dma_wait3A_45 = arith.constant 0 : i32
      %dma_wait3A_46 = arith.constant 0 : i32
      %dma_wait3A_47 = tpu.memref_slice %arg2[%dma_wait3A_45, %dma_wait3A_46] : memref<100000x512xf32, #tpu.memory_space<hbm>> -> memref<112x512xf32, #tpu.memory_space<hbm>>
      tpu.wait_dma2 semaphore(%arg9 : memref<!tpu.dma_semaphore, #tpu.memory_space<semaphore_mem>>) src(%dma_wait3A_47 : memref<112x512xf32, #tpu.memory_space<hbm>>) dst(%arg7 : memref<112x512xf32, #tpu.memory_space<vmem>>)
      %mul3A_48 = arith.constant 112 : i32
      %mul3A_49 = arith.muli %add3A_41, %mul3A_48 : i32
      %add3A_50 = arith.addi %multiple_of3A, %mul3A_49 : i32
      %multiple_of3A_51 = tpu.assume_multiple %add3A_50, 8 : i32
      "tpu.region"() ({
        %run_scoped3A = tpu.sem_alloc : memref<!tpu.dma_semaphore, #tpu.memory_space<semaphore_mem>>
        %dma_start3A_59 = arith.constant 0 : i32
        %dma_start3A_60 = tpu.memref_slice %arg4[%multiple_of3A_51, %dma_start3A_59] : memref<100000x512xf32, #tpu.memory_space<hbm>> -> memref<112x512xf32, #tpu.memory_space<hbm>>
        %dma_start3A_61 = arith.constant 0 : i32
        %dma_start3A_62 = tpu.memref_slice %arg4[%multiple_of3A_51, %dma_start3A_61] : memref<100000x512xf32, #tpu.memory_space<hbm>> -> memref<112x512xf32, #tpu.memory_space<hbm>>
        tpu.enqueue_dma source(%arg7 : memref<112x512xf32, #tpu.memory_space<vmem>>) target(%dma_start3A_62 : memref<112x512xf32, #tpu.memory_space<hbm>>) target_semaphore(%run_scoped3A : memref<!tpu.dma_semaphore, #tpu.memory_space<semaphore_mem>>)
        %dma_wait3A_63 = arith.constant 0 : i32
        %dma_wait3A_64 = tpu.memref_slice %arg4[%multiple_of3A_51, %dma_wait3A_63] : memref<100000x512xf32, #tpu.memory_space<hbm>> -> memref<112x512xf32, #tpu.memory_space<hbm>>
        %dma_wait3A_65 = arith.constant 0 : i32
        %dma_wait3A_66 = tpu.memref_slice %arg4[%multiple_of3A_51, %dma_wait3A_65] : memref<100000x512xf32, #tpu.memory_space<hbm>> -> memref<112x512xf32, #tpu.memory_space<hbm>>
        tpu.wait_dma2 semaphore(%run_scoped3A : memref<!tpu.dma_semaphore, #tpu.memory_space<semaphore_mem>>) src(%arg7 : memref<112x512xf32, #tpu.memory_space<vmem>>) dst(%dma_wait3A_66 : memref<112x512xf32, #tpu.memory_space<hbm>>)
        tpu.yield
      }) : () -> ()
      %add3A_52 = arith.constant 2 : i32
      %add3A_53 = arith.addi %add3A_41, %add3A_52 : i32
      %lt3A_54 = arith.constant 28 : i32
      %lt3A_55 = arith.cmpi slt, %add3A_53, %lt3A_54 : i32
      %convert_element_type3A_56 = arith.extui %lt3A_55 : i1 to i32
      %cond3A_57 = arith.constant 0 : i32
      %cond3A_58 = arith.cmpi ne, %convert_element_type3A_56, %cond3A_57 : i32
      scf.if %cond3A_58 {
        %add3A_59 = arith.constant 2 : i32
        %add3A_60 = arith.addi %add3A_41, %add3A_59 : i32
        %mul3A_61 = arith.constant 112 : i32
        %mul3A_62 = arith.muli %add3A_60, %mul3A_61 : i32
        %multiple_of3A_63 = tpu.assume_multiple %mul3A_62, 8 : i32
        %dma_start3A_64 = tpu.memref_slice %arg5[%multiple_of3A_63] : memref<3136xi32, #tpu.memory_space<vmem>> -> memref<112xi32, #tpu.memory_space<vmem>>
        %dma_start3A_65 = arith.constant 0 : i32
        %dma_start3A_66 = arith.constant 0 : i32
        %dma_start3A_67 = tpu.memref_slice %arg2[%dma_start3A_65, %dma_start3A_66] : memref<100000x512xf32, #tpu.memory_space<hbm>> -> memref<100000x512xf32, #tpu.memory_space<hbm>>
        tpu.enqueue_indirect_dma source(%dma_start3A_67 : memref<100000x512xf32, #tpu.memory_space<hbm>>) target(%arg7 : memref<112x512xf32, #tpu.memory_space<vmem>>) offsets(%dma_start3A_64 : memref<112xi32, #tpu.memory_space<vmem>>) semaphore(%arg9 : memref<!tpu.dma_semaphore, #tpu.memory_space<semaphore_mem>>)
      } else {
      }
    }
    %scan3A_19 = arith.constant 14 : i32
    return
  }
}

</mosaic_0001>

<sc_bundles>
// kernel: kernel.3.cloned.1.call-start
scs
__scs_entry_jumppad:
0x0: {  	(pc) =	sbr.rel $0x88, $3  }
0x1: {  	(tag) =	ssettag $0x0;
	lr =	simm.s32 $0x1  }
0x2: {  	[smem:$0x3FA0] =	sst lr;
	_ =	strace $0xD0000000  }
0x3: {  	_ = 	snop  }
0x4: {  	_ = 	snop  }
0x5: {  	_ = 	snop  }
0x6: {  	_ = 	snop  }
0x7: {  	_ = 	snop  }
__scs_overlays_trampoline_lowered:
0x8: {  	[smem:$0x3FAF] =	sst s0  }
0x9: {  	[smem:$0x3FB0] =	sst s1  }
0xa: {  	[smem:$0x3FB1] =	sst s2  }
0xb: {  	[smem:$0x3FB2] =	sst s3  }
0xc: {  	[smem:$0x3FB3] =	sst s4  }
0xd: {  	[smem:$0x3FB4] =	sst s5  }
0xe: {  	[smem:$0x3FB5] =	sst s6  }
0xf: {  	[smem:$0x3FB6] =	sst s7  }
0x10: {  	[smem:$0x3FB7] =	sst s8  }
0x11: {  	[smem:$0x3FB8] =	sst s9;
	s0 =	simm.s32 @!p0 $0x0  }
0x12: {  	s1 =	sld [smem:$0x3F9E];
	s0 =	simm.s32 @p0 $0x1  }
0x13: {  	[smem:$0x3FB9] =	sst s0;
	s0 =	simm.s32 @!p1 $0x0  }
0x14: {  	s2 =	sld [smem:$0x3F9D];
	s0 =	simm.s32 @p1 $0x1  }
0x15: {  	[smem:$0x3FBA] =	sst s0;
	s0 =	simm.s32 @!p2 $0x0  }
0x16: {  	s3 =	sld [smem:$0x3FDB];
	s0 =	simm.s32 @p2 $0x1  }
0x17: {  	s4 =	simm.s32 $0x1BF5;
	[smem:$0x3FBC] =	sst s0  }
0x18: {  	s0 =	sld [smem:$0x3F9F];
	_ =	swait.ge [sflag:s4], $0x0  }
0x19: {  	s7 =	sld [smem:$0x3FA0]  }
0x1a: {  	s8 =	sadd.s32 $0xFFFFE003, lr  }
0x1b: {  	s9 =	sadd.s32 $0xFFFFFEF7, lr;
	s5 =	simm.s32 $0xFFFFFFFF;
	p2 =	slt.u32 s8, $0xFFFFF086  }
0x1c: {  	p1 =	slt.u32 s9, $0xF7A;
	s5 =	simm.s32 @!p2 $0x0  }
0x1d: {  	s5 =	simm.s32 @p1 $0x1;
	p0 =	seq.s32 s7, s2  }
0x1e: {  	s7 =	smul.u32 @!p0 $0xF7A, s2;
	p2 =	seq.s32 @!p0 s5, $0x0  }
0x1f: {  	s9 =	smul.u32 $0xF7A, s1;
	s8 =	simm.s32 @!p0 $0x1BF5;
	p2 =	por !p2, p0  }
0x20: {  	[sflag:s8] =	ssyncset.s32 @!p0 $0xFFFFF086;
	s6 =	sadd.s32 @!p0 s3, s7;
	s7 =	simm.s32 @!p0 $0x108  }
0x21: {  	s3 =	sadd.s32 s3, s9;
	s6 =	sadd.s32 @!p0 $0x88, s6;
	s7 =	simm.s32 @p2 $0x1082  }
0x22: {  	[simem:s7], [sflag:s8] =	dma.local @!p0 [hbm:s6], $0xF7A  }
0x23: {  	s9 =	sor.u32 $0xD0000000, s2;
	s6 =	simm.s32 $0x108;
	_ =	swait.ge @!p0 [sflag:s8], $0x0  }
0x24: {  	s3 =	sadd.s32 $0x88, s3;
	s6 =	simm.s32 @!p1 $0x1082;
	[sflag:s4] =	ssyncset.s32 $0xFFFFF086  }
0x25: {  	[simem:s6], [sflag:s4] =	dma.local [hbm:s3], $0xF7A  }
0x26: {  	[smem:$0x3FA0] =	sst s1;
	(tag) =	ssettag s2;
	_ =	strace s9  }
0x27: {  	s1 =	sld [smem:$0x3FB0]  }
0x28: {  	s2 =	sld [smem:$0x3FB1]  }
0x29: {  	s4 =	sld [smem:$0x3FB3]  }
0x2a: {  	p0 =	seq.s32 s5, $0x0;
	s5 =	sld [smem:$0x3FB4]  }
0x2b: {  	s6 =	sld [smem:$0x3FB5]  }
0x2c: {  	s7 =	sld [smem:$0x3FB6]  }
0x2d: {  	s3 =	simm.s32 $0x108;
	s8 =	sld [smem:$0x3FB7]  }
0x2e: {  	s3 =	simm.s32 @!p0 $0x1082;
	s9 =	sld [smem:$0x3FB8]  }
0x2f: {  	lr =	sadd.s32 s0, s3;
	s0 =	sld [smem:$0x3FAF]  }
0x30: {  	s3 =	sld [smem:$0x3FB2]  }
0x31: {  	[smem:$0x3FBB] =	sst s10  }
0x32: {  	s10 =	sld [smem:$0x3FB9];
	_ =	sdelay $0x3  }
0x33: {  	p0 =	seq.s32 s10, $0x1;
	s10 =	sld [smem:$0x3FBB];
	_ =	sdelay $0x3  }
0x34: {  	[smem:$0x3FBB] =	sst s10  }
0x35: {  	s10 =	sld [smem:$0x3FBA];
	_ =	sdelay $0x3  }
0x36: {  	p1 =	seq.s32 s10, $0x1;
	s10 =	sld [smem:$0x3FBB];
	_ =	sdelay $0x3  }
0x37: {  	[smem:$0x3FBB] =	sst s10  }
0x38: {  	s10 =	sld [smem:$0x3FBC]  }
0x39: {  	_ = 	snop;
	(pc) =	sbr.ind lr, $3  }
0x3a: {  	_ = 	snop  }
0x3b: {  	_ = 	snop  }
0x3c: {  	p2 =	seq.s32 s10, $0x1;
	s10 =	sld [smem:$0x3FBB]  }
0x3d: {  	_ =	shalt  }
0x3e: {  	_ =	shalt  }
0x3f: {  	_ =	shalt  }
0x40: {  	_ =	shalt  }
0x41: {  	_ =	shalt  }
0x42: {  	_ =	shalt  }
0x43: {  	_ =	shalt  }
0x44: {  	_ =	shalt  }
0x45: {  	_ =	shalt  }
0x46: {  	_ =	shalt  }
0x47: {  	_ =	shalt  }
0x48: {  	_ =	shalt  }
0x49: {  	_ =	shalt  }
0x4a: {  	_ =	shalt  }
0x4b: {  	_ =	shalt  }
0x4c: {  	_ =	shalt  }
0x4d: {  	_ =	shalt  }
0x4e: {  	_ =	shalt  }
0x4f: {  	_ =	shalt  }
0x50: {  	_ =	shalt  }
0x51: {  	_ =	shalt  }
0x52: {  	_ =	shalt  }
0x53: {  	_ =	shalt  }
0x54: {  	_ =	shalt  }
0x55: {  	_ =	shalt  }
0x56: {  	_ =	shalt  }
0x57: {  	_ =	shalt  }
0x58: {  	_ =	shalt  }
0x59: {  	_ =	shalt  }
0x5a: {  	_ =	shalt  }
0x5b: {  	_ =	shalt  }
0x5c: {  	_ =	shalt  }
0x5d: {  	_ =	shalt  }
0x5e: {  	_ =	shalt  }
0x5f: {  	_ =	shalt  }
0x60: {  	_ =	shalt  }
0x61: {  	_ =	shalt  }
0x62: {  	_ =	shalt  }
0x63: {  	_ =	shalt  }
0x64: {  	_ =	shalt  }
0x65: {  	_ =	shalt  }
0x66: {  	_ =	shalt  }
0x67: {  	_ =	shalt  }
0x68: {  	_ =	shalt  }
0x69: {  	_ =	shalt  }
0x6a: {  	_ =	shalt  }
0x6b: {  	_ =	shalt  }
0x6c: {  	_ =	shalt  }
0x6d: {  	_ =	shalt  }
0x6e: {  	_ =	shalt  }
0x6f: {  	_ =	shalt  }
0x70: {  	_ =	shalt  }
0x71: {  	_ =	shalt  }
0x72: {  	_ =	shalt  }
0x73: {  	_ =	shalt  }
0x74: {  	_ =	shalt  }
0x75: {  	_ =	shalt  }
0x76: {  	_ =	shalt  }
0x77: {  	_ =	shalt  }
0x78: {  	_ =	shalt  }
0x79: {  	_ =	shalt  }
0x7a: {  	_ =	shalt  }
0x7b: {  	_ =	shalt  }
0x7c: {  	_ =	shalt  }
0x7d: {  	_ =	shalt  }
0x7e: {  	_ =	shalt  }
0x7f: {  	_ =	shalt  }
0x80: {  	_ =	shalt  }
0x81: {  	_ =	shalt  }
0x82: {  	_ =	shalt  }
0x83: {  	_ =	shalt  }
0x84: {  	_ =	shalt  }
0x85: {  	_ =	shalt  }
0x86: {  	_ =	shalt  }
0x87: {  	_ =	shalt  }
.Lfunc_end0:
.L_simem_size_0:
called_computation_lowered:
.L_overlay_start_0:
0x88: {  	s2 =	sld [smem:$0x3FD9]  }
0x89: {  	s3 =	sld [smem:$0x3FFE];
	_ =	sdelay $0x1  }
0x8a: {  	s1 =	srdreg.scid  }
0x8b: {  	s0 =	sand.u32 $0x1, s1  }
0x8c: {  	s17 =	sshll.u32 s0, $0xA;
	s2 =	sadd.s32 s3, s2  }
0x8d: {  	s2 =	sadd.s32 s2, s17  }
0x8e: {  	[smem:$0x3FC7] =	sst s2  }
0x8f: {  	_ = 	snop  }
0x90: {  	s2 =	sld [smem:$0x3FC9]  }
0x91: {  	s18 =	sld [smem:$0x3FD0];
	(tm) =	ssettm $0x1  }
0x92: {  	s4 =	sld [smem:$0x3FFB];
	_ =	sdelay $0x3  }
0x93: {  	_ =	strace s4  }
0x94: {  	s4 =	sld [smem:$0x3FFC];
	_ =	sdelay $0x3  }
0x95: {  	_ =	strace s4  }
0x96: {  	s4 =	sld [smem:$0x3FFD];
	_ =	sdelay $0x3  }
0x97: {  	_ =	strace s4  }
0x98: {  	_ =	strace $0x8FFFFFFF  }
0x99: {  	s19 =	sld [smem:$0x3FDB];
	_ =	sdelay $0x1  }
0x9a: {  	s5 =	simm.s32 $_scs_section_size  }
0x9b: {  	s6 =	simm.s32 $_size__tile_overlayer_lowered;
	s7 =	simm.s32 $_tile_overlayer_lowered  }
0x9c: {  	s22 =	simm.s32 $0x1BFF;
	s21 =	sshll.u32 s7, $0x1;
	s4 =	sadd.s32 s5, s19  }
0x9d: {  	s8 =	simm.s32 $0x0;
	s20 =	sshll.u32 s6, $0x1;
	s6 =	sadd.s32 s21, s4  }
0x9e: {  	[timem:s8], [sflag:s22] =	dma.local [hbm:s6], s20  }
0x9f: {  	_ =	swait.ge [sflag:s22], s20  }
0xa0: {  	s5 =	ssub.s32 $0x0, s20;
	[sflag:s22] =	ssyncset.done $0x0  }
0xa1: {  	[sflag:s22] =	ssyncadd.s32 s5;
	_ =	sdelay $0x1  }
0xa2: {  	s23 =	simm.s32 $0x1B8B  }
0xa3: {  	_ =	swait.ge [sflag:s23], $0x1  }
0xa4: {  	[sflag:s23] =	ssyncset.done $0x0  }
0xa5: {  	s25 =	simm.s32 $0x1B8E;
	s24 =	sld [smem:$0x3FFE];
	[sflag:s23] =	ssyncadd.s32 $0xFFFFFFFF  }
0xa6: {  	s26 =	simm.s32 $execute0_lowered;
	[smem:$0x3FD2] =	sst s25  }
0xa7: {  	s6 =	sshll.u32 s26, $0x1;
	_ =	strace $0x80000046;
	[dreg:$0x1] =	wrdreg $0xFFFFFFFF  }
0xa8: {  	s28 =	simm.s32 $_size_execute0_lowered;
	s4 =	sadd.s32 s4, s6;
	[dreg:$0x0] =	wrdreg $0x0  }
0xa9: {  	s6 =	sshll.u32 s28, $0x1;
	[dreg:$0x2] =	wrdreg s4  }
0xaa: {  	[dreg:$0x3] =	wrdreg s6  }
0xab: {  	[dreg:$0x4] =	wrdreg $0xC0  }
0xac: {  	_ =	task [dreg:s8], $0x5FFFF  }
0xad: {  	[dreg:$0x1] =	wrdreg $0xFFFFFFFF  }
0xae: {  	[dreg:$0x0] =	wrdreg $0x60  }
0xaf: {  	[dreg:$0x2] =	wrdreg s2  }
0xb0: {  	[dreg:$0x3] =	wrdreg s24  }
0xb1: {  	[dreg:$0x4] =	wrdreg s18  }
0xb2: {  	[dreg:$0x5] =	wrdreg $0x9  }
0xb3: {  	_ =	task.clear_ibuf [dreg:s8], $0x6FFFF;
	_ =	strace $0x90000046  }
0xb4: {  	s29 =	simm.s32 $0x9;
	_ =	strace $0x80000048  }
0xb5: {  	_ =	swait.ge [sflag:s29], $0x1  }
0xb6: {  	[sflag:s29] =	ssyncadd.s32 $0xFFFFFFFF  }
0xb7: {  	_ =	strace $0x90000048  }
0xb8: {  	_ =	sfence  }
0xb9: {  	s30 =	sld [smem:$0x0];
	_ =	sdelay $0x2  }
0xba: {  	s31 =	sshll.u32 s1, $0xD;
	s1 =	sshrl.u32 s1, $0x2  }
0xbb: {  	s3 =	sand.u32 $0x4000, s31;
	s1 =	sadd.s32 s1, s30  }
0xbc: {  	s0 =	sor.u32 s3, s0;
	s1 =	sshll.u32 s1, $0x11  }
0xbd: {  	s0 =	sor.u32 s1, s0  }
0xbe: {  	s0 =	sadd.s32 $0x8F2B, s0  }
0xbf: {  	[sflag:s0] =	ssyncadd.remote.s32 $0x1  }
0xc0: {  	_ =	sfence.sel $0xFFFF  }
0xc1: {  	[dreg:$0x0] =	wrdreg $0xFFFFFFFF;
	(pc) =	sbr.abs _section_cstart, $3  }
0xc2: {  	[dreg:$0x1] =	wrdreg $0xFFFFFFFF  }
0xc3: {  	_ =	task.clear_ibuf [dreg:s8], $0x2FFFF;
	_ =	strace $0x9FFFFFFF  }
0xc4: {  	(tm) =	ssettm $0x7FFFFFFF  }
0xc5: {  	_ =	shalt  }
tec
execute0_lowered:
.L_overlay_start_1:
0x0: {  	(tag) =	ssettag $0x1  }
0x1: {  	s0 =	srdreg.scid;
	s1 =	rddreg [dreg:$0x0]  }
0x2: {  	s5 =	stileid.u32;
	s4 =	rddreg [dreg:$0x1]  }
0x3: {  	s6 =	rddreg [dreg:$0x2];
	s3 =	simm.s32 $0x0;
	s8 =	simm.s32 $0x3  }
0x4: {  	s9 =	simm.s32 $0xC80;
	s12 =	simm.s32 $0xEC80;
	s21 =	simm.s32 $0xF480  }
0x5: {  	s22 =	simm.s32 $0x13C80;
	s23 =	simm.s32 $0x14480;
	s24 =	simm.s32 $0x14C80  }
0x6: {  	s28 =	simm.s32 $0x16480;
	s29 =	simm.s32 $0x16C80;
	s30 =	simm.s32 $0x17480  }
0x7: {  	s31 =	simm.s32 $0x17C80;
	s10 =	simm.s32 $0x1A480;
	s11 =	simm.s32 $0x1AC80  }
0x8: {  	s13 =	simm.s32 $0x1B480;
	s14 =	simm.s32 $0x1BC80;
	s15 =	simm.s32 $0x1C480  }
0x9: {  	s16 =	simm.s32 $0x1;
	s17 =	simm.s32 $0x2;
	s19 =	simm.s32 $0x0  }
0xa: {  	s0 =	sand.u32 $0x1, s0;
	s2 =	sshll.u32 s5, $0x1;
	s5 =	smul.u32 $0x1880, s5  }
0xb: {  	s2 =	sor.u32 s0, s2;
	s7 =	smul.u32 $0xC40, s0;
	s0 =	ssub.s32 $0x2, s0  }
0xc: {  	[smem:$0x7FF] =	sst s3;
	s2 =	smul.u32 $0xC40, s2;
	s25 =	sshrl.u32 s0, $0x1  }
0xd: {  	_ =	strace $0x80000047;
	s5 =	sadd.s32 s7, s5;
	s0 =	ssub.s32 s0, s25  }
0xe: {  	s25 =	simm.s32 $0x15480;
	s2 =	smin.u32 s2, $0x17A60;
	s5 =	smin.u32 s5, $0x17A60  }
.Ltmp0:
0xf: {  	s0 =	smax.u32 s0, $0x1;
	s2 =	sshrl.u32 s2, $0x3;
	(pc) =	sbr.rel .LBB2_1-.Ltmp0, $4  }
0x10: {  	s26 =	sshll.u32 s5, $0x6;
	s5 =	sadd.s32 $0x100, s1;
	[dreg:$0x5] =	wrdreg s0  }
0x11: {  	v2 =	vlaneseq.u32;
	s0 =	simm.s32 $0x18C80;
	s2 =	sadd.s32 s2, s4;
	s7 =	sadd.s32 s26, s6  }
0x12: {  	vm0 =	vmmov $0xffff;
	v1 =	vshrl.u32 v2, $0x3;
	s26 =	simm.s32 $0x15C80;
	s4 =	simm.s32 $0x19480;
	s2 =	sadd.s32 $0x400, s2  }
0x13: {  	v0 =	vand.u32 $0x7, v2;
	v2 =	vor.u32 $0x8, v2;
	v1 =	vmul.u32 $0x8, v1;
	s6 =	simm.s32 $0x19C80;
	[dreg:$0x4] =	wrdreg s2;
	s2 =	simm.s32 $0x18480  }
.LBB2_6:
0x14: {  	s19 =	rddreg [dreg:$0x6]  }
0x15: {  	s18 =	rddreg [dreg:$0x5];
	s19 =	sadd.s32 $0x1, s19  }
0x16: {  	p0 =	sne.s32 s19, s18  }
.Ltmp1:
0x17: {  	_ = 	snop;
	(pc) =	sbr.rel @!p0 .LBB2_7-.Ltmp1, $1  }
0x18: {  	_ =	sdelay $0x3  }
.LBB2_1:
0x19: {  	[dreg:$0x6] =	wrdreg s19  }
0x1a: {  	s18 =	rddreg [dreg:$0x4]  }
0x1b: {  	[tilespmem:s3], [sflag:$0x3] =	stream.linear.gather [hbm4b:s18+s3], $0xC40, $0x38;
	[tilespmem:$0x1CC80] =	vst v63  }
0x1c: {  	_ =	swait.ge [sflag:s8], $0xC40  }
0x1d: {  	[sflag:s8] =	ssyncset.done $0x0  }
0x1e: {  	[sflag:s8] =	ssyncadd.s32 $0xFFFFF3C0  }
0x1f: {  	v3 =	vld [tilespmem:$0x0];
	_ =	sdelay $0x4  }
0x20: {  	v4 =	vshll.u32 v3, $0x2  }
0x21: {  	v3 =	vand.u32 $0x7, v3;
	v4 =	vand.u32 $0xFFFFFFE0, v4  }
0x22: {  	v3 =	vor.u32 v3, v4  }
0x23: {  	v4 =	vperm.xlane v3, v0;
	_ =	sdelay $0x1  }
0x24: {  	v4 =	vadd.s32 v1, v4;
	_ =	sdelay $0x1  }
0x25: {  	v3 =	vperm.xlane v3, v2;
	_ =	sdelay $0x1  }
0x26: {  	v3 =	vadd.s32 v1, v3  }
0x27: {  	[tilespmem:s9], [sflag:$0x1] =	stream.indirect_vreg.gather [hbm4b:s1+s3], $0x80, v4, vm0, $0xb8;
	[tilespmem:$0x1CC80] =	vst v63  }
0x28: {  	s20 =	simm.s32 $0x1480  }
0x29: {  	[tilespmem:s20], [sflag:$0x1] =	stream.indirect_vreg.gather [hbm4b:s5+s3], $0x80, v4, vm0, $0xb8;
	[tilespmem:$0x1CC80] =	vst v63  }
0x2a: {  	s19 =	simm.s32 $0x1C80  }
0x2b: {  	[tilespmem:s19], [sflag:$0x1] =	stream.indirect_vreg.gather [hbm4b:s1+s3], $0x80, v3, vm0, $0xb8;
	[tilespmem:$0x1CC80] =	vst v63  }
0x2c: {  	s20 =	simm.s32 $0x2480  }
0x2d: {  	[tilespmem:s20], [sflag:$0x1] =	stream.indirect_vreg.gather [hbm4b:s5+s3], $0x80, v3, vm0, $0xb8;
	[tilespmem:$0x1CC80] =	vst v63  }
0x2e: {  	v3 =	vld [tilespmem:$0x10];
	_ =	sdelay $0x4  }
0x2f: {  	v51 =	vshll.u32 v3, $0x2  }
0x30: {  	v3 =	vand.u32 $0x7, v3;
	v4 =	vand.u32 $0xFFFFFFE0, v51  }
0x31: {  	v3 =	vor.u32 v3, v4  }
0x32: {  	v4 =	vperm.xlane v3, v0;
	_ =	sdelay $0x1  }
0x33: {  	v4 =	vadd.s32 v1, v4;
	_ =	sdelay $0x1  }
0x34: {  	v3 =	vperm.xlane v3, v2;
	_ =	sdelay $0x1  }
0x35: {  	s19 =	simm.s32 $0x2C80;
	v3 =	vadd.s32 v1, v3  }
0x36: {  	[tilespmem:s19], [sflag:$0x1] =	stream.indirect_vreg.gather [hbm4b:s1+s3], $0x80, v4, vm0, $0xb8;
	[tilespmem:$0x1CC80] =	vst v63  }
0x37: {  	s20 =	simm.s32 $0x3480  }
0x38: {  	[tilespmem:s20], [sflag:$0x1] =	stream.indirect_vreg.gather [hbm4b:s5+s3], $0x80, v4, vm0, $0xb8;
	[tilespmem:$0x1CC80] =	vst v63  }
0x39: {  	s19 =	simm.s32 $0x3C80  }
0x3a: {  	[tilespmem:s19], [sflag:$0x1] =	stream.indirect_vreg.gather [hbm4b:s1+s3], $0x80, v3, vm0, $0xb8;
	[tilespmem:$0x1CC80] =	vst v63  }
0x3b: {  	s20 =	simm.s32 $0x4480  }
0x3c: {  	[tilespmem:s20], [sflag:$0x1] =	stream.indirect_vreg.gather [hbm4b:s5+s3], $0x80, v3, vm0, $0xb8;
	[tilespmem:$0x1CC80] =	vst v63  }
0x3d: {  	v3 =	vld [tilespmem:$0x20];
	_ =	sdelay $0x4  }
0x3e: {  	v52 =	vshll.u32 v3, $0x2  }
0x3f: {  	v3 =	vand.u32 $0x7, v3;
	v4 =	vand.u32 $0xFFFFFFE0, v52  }
0x40: {  	v3 =	vor.u32 v3, v4  }
0x41: {  	v4 =	vperm.xlane v3, v0;
	_ =	sdelay $0x1  }
0x42: {  	v4 =	vadd.s32 v1, v4;
	_ =	sdelay $0x1  }
0x43: {  	v3 =	vperm.xlane v3, v2;
	_ =	sdelay $0x1  }
0x44: {  	s19 =	simm.s32 $0x4C80;
	v3 =	vadd.s32 v1, v3  }
0x45: {  	[tilespmem:s19], [sflag:$0x1] =	stream.indirect_vreg.gather [hbm4b:s1+s3], $0x80, v4, vm0, $0xb8;
	[tilespmem:$0x1CC80] =	vst v63  }
0x46: {  	s20 =	simm.s32 $0x5480  }
0x47: {  	[tilespmem:s20], [sflag:$0x1] =	stream.indirect_vreg.gather [hbm4b:s5+s3], $0x80, v4, vm0, $0xb8;
	[tilespmem:$0x1CC80] =	vst v63  }
0x48: {  	s19 =	simm.s32 $0x5C80  }
0x49: {  	[tilespmem:s19], [sflag:$0x1] =	stream.indirect_vreg.gather [hbm4b:s1+s3], $0x80, v3, vm0, $0xb8;
	[tilespmem:$0x1CC80] =	vst v63  }
0x4a: {  	s20 =	simm.s32 $0x6480  }
0x4b: {  	[tilespmem:s20], [sflag:$0x1] =	stream.indirect_vreg.gather [hbm4b:s5+s3], $0x80, v3, vm0, $0xb8;
	[tilespmem:$0x1CC80] =	vst v63  }
0x4c: {  	v3 =	vld [tilespmem:$0x30];
	_ =	sdelay $0x4  }
0x4d: {  	v53 =	vshll.u32 v3, $0x2  }
0x4e: {  	v3 =	vand.u32 $0x7, v3;
	v4 =	vand.u32 $0xFFFFFFE0, v53  }
0x4f: {  	v3 =	vor.u32 v3, v4  }
0x50: {  	v4 =	vperm.xlane v3, v0;
	_ =	sdelay $0x1  }
0x51: {  	v4 =	vadd.s32 v1, v4;
	_ =	sdelay $0x1  }
0x52: {  	v3 =	vperm.xlane v3, v2;
	_ =	sdelay $0x1  }
0x53: {  	s19 =	simm.s32 $0x6C80;
	v3 =	vadd.s32 v1, v3  }
0x54: {  	[tilespmem:s19], [sflag:$0x1] =	stream.indirect_vreg.gather [hbm4b:s1+s3], $0x80, v4, vm0, $0xb8;
	[tilespmem:$0x1CC80] =	vst v63  }
0x55: {  	s20 =	simm.s32 $0x7480  }
0x56: {  	[tilespmem:s20], [sflag:$0x1] =	stream.indirect_vreg.gather [hbm4b:s5+s3], $0x80, v4, vm0, $0xb8;
	[tilespmem:$0x1CC80] =	vst v63  }
0x57: {  	s19 =	simm.s32 $0x7C80  }
0x58: {  	[tilespmem:s19], [sflag:$0x1] =	stream.indirect_vreg.gather [hbm4b:s1+s3], $0x80, v3, vm0, $0xb8;
	[tilespmem:$0x1CC80] =	vst v63  }
0x59: {  	s20 =	simm.s32 $0x8480  }
0x5a: {  	[tilespmem:s20], [sflag:$0x1] =	stream.indirect_vreg.gather [hbm4b:s5+s3], $0x80, v3, vm0, $0xb8;
	[tilespmem:$0x1CC80] =	vst v63  }
0x5b: {  	v3 =	vld [tilespmem:$0x40];
	_ =	sdelay $0x4  }
0x5c: {  	v54 =	vshll.u32 v3, $0x2  }
0x5d: {  	v3 =	vand.u32 $0x7, v3;
	v4 =	vand.u32 $0xFFFFFFE0, v54  }
0x5e: {  	v3 =	vor.u32 v3, v4  }
0x5f: {  	v4 =	vperm.xlane v3, v0;
	_ =	sdelay $0x1  }
0x60: {  	v4 =	vadd.s32 v1, v4;
	_ =	sdelay $0x1  }
0x61: {  	v3 =	vperm.xlane v3, v2;
	_ =	sdelay $0x1  }
0x62: {  	s19 =	simm.s32 $0x8C80;
	v3 =	vadd.s32 v1, v3  }
0x63: {  	[tilespmem:s19], [sflag:$0x1] =	stream.indirect_vreg.gather [hbm4b:s1+s3], $0x80, v4, vm0, $0xb8;
	[tilespmem:$0x1CC80] =	vst v63  }
0x64: {  	s20 =	simm.s32 $0x9480  }
0x65: {  	[tilespmem:s20], [sflag:$0x1] =	stream.indirect_vreg.gather [hbm4b:s5+s3], $0x80, v4, vm0, $0xb8;
	[tilespmem:$0x1CC80] =	vst v63  }
0x66: {  	s19 =	simm.s32 $0x9C80  }
0x67: {  	[tilespmem:s19], [sflag:$0x1] =	stream.indirect_vreg.gather [hbm4b:s1+s3], $0x80, v3, vm0, $0xb8;
	[tilespmem:$0x1CC80] =	vst v63  }
0x68: {  	s20 =	simm.s32 $0xA480  }
0x69: {  	[tilespmem:s20], [sflag:$0x1] =	stream.indirect_vreg.gather [hbm4b:s5+s3], $0x80, v3, vm0, $0xb8;
	[tilespmem:$0x1CC80] =	vst v63  }
0x6a: {  	v3 =	vld [tilespmem:$0x50];
	_ =	sdelay $0x4  }
0x6b: {  	v55 =	vshll.u32 v3, $0x2  }
0x6c: {  	v3 =	vand.u32 $0x7, v3;
	v4 =	vand.u32 $0xFFFFFFE0, v55  }
0x6d: {  	v3 =	vor.u32 v3, v4  }
0x6e: {  	v4 =	vperm.xlane v3, v0;
	_ =	sdelay $0x1  }
0x6f: {  	v4 =	vadd.s32 v1, v4;
	_ =	sdelay $0x1  }
0x70: {  	v3 =	vperm.xlane v3, v2;
	_ =	sdelay $0x1  }
0x71: {  	s19 =	simm.s32 $0xAC80;
	v3 =	vadd.s32 v1, v3  }
0x72: {  	[tilespmem:s19], [sflag:$0x1] =	stream.indirect_vreg.gather [hbm4b:s1+s3], $0x80, v4, vm0, $0xb8;
	[tilespmem:$0x1CC80] =	vst v63  }
0x73: {  	s20 =	simm.s32 $0xB480  }
0x74: {  	[tilespmem:s20], [sflag:$0x1] =	stream.indirect_vreg.gather [hbm4b:s5+s3], $0x80, v4, vm0, $0xb8;
	[tilespmem:$0x1CC80] =	vst v63  }
0x75: {  	s19 =	simm.s32 $0xBC80  }
0x76: {  	[tilespmem:s19], [sflag:$0x1] =	stream.indirect_vreg.gather [hbm4b:s1+s3], $0x80, v3, vm0, $0xb8;
	[tilespmem:$0x1CC80] =	vst v63  }
0x77: {  	s20 =	simm.s32 $0xC480  }
0x78: {  	[tilespmem:s20], [sflag:$0x1] =	stream.indirect_vreg.gather [hbm4b:s5+s3], $0x80, v3, vm0, $0xb8;
	[tilespmem:$0x1CC80] =	vst v63  }
0x79: {  	v3 =	vld [tilespmem:$0x60];
	_ =	sdelay $0x4  }
0x7a: {  	v56 =	vshll.u32 v3, $0x2  }
0x7b: {  	v3 =	vand.u32 $0x7, v3;
	v4 =	vand.u32 $0xFFFFFFE0, v56  }
0x7c: {  	v3 =	vor.u32 v3, v4  }
0x7d: {  	v4 =	vperm.xlane v3, v0;
	_ =	sdelay $0x1  }
0x7e: {  	v4 =	vadd.s32 v1, v4;
	_ =	sdelay $0x1  }
0x7f: {  	v3 =	vperm.xlane v3, v2;
	_ =	sdelay $0x1  }
0x80: {  	s19 =	simm.s32 $0xCC80;
	v3 =	vadd.s32 v1, v3  }
0x81: {  	[tilespmem:s19], [sflag:$0x1] =	stream.indirect_vreg.gather [hbm4b:s1+s3], $0x80, v4, vm0, $0xb8;
	[tilespmem:$0x1CC80] =	vst v63  }
0x82: {  	s20 =	simm.s32 $0xD480  }
0x83: {  	[tilespmem:s20], [sflag:$0x1] =	stream.indirect_vreg.gather [hbm4b:s5+s3], $0x80, v4, vm0, $0xb8;
	[tilespmem:$0x1CC80] =	vst v63  }
0x84: {  	s19 =	simm.s32 $0xDC80  }
0x85: {  	[tilespmem:s19], [sflag:$0x1] =	stream.indirect_vreg.gather [hbm4b:s1+s3], $0x80, v3, vm0, $0xb8;
	[tilespmem:$0x1CC80] =	vst v63  }
0x86: {  	s20 =	simm.s32 $0xE480  }
0x87: {  	[tilespmem:s20], [sflag:$0x1] =	stream.indirect_vreg.gather [hbm4b:s5+s3], $0x80, v3, vm0, $0xb8;
	[tilespmem:$0x1CC80] =	vst v63  }
0x88: {  	v3 =	vld [tilespmem:$0x70];
	_ =	sdelay $0x4  }
0x89: {  	v57 =	vshll.u32 v3, $0x2  }
0x8a: {  	v3 =	vand.u32 $0x7, v3;
	v4 =	vand.u32 $0xFFFFFFE0, v57  }
0x8b: {  	v3 =	vor.u32 v3, v4  }
0x8c: {  	v4 =	vperm.xlane v3, v0;
	_ =	sdelay $0x1  }
0x8d: {  	v4 =	vadd.s32 v1, v4;
	_ =	sdelay $0x1  }
0x8e: {  	v3 =	vperm.xlane v3, v2;
	_ =	sdelay $0x1  }
0x8f: {  	v3 =	vadd.s32 v1, v3  }
0x90: {  	[tilespmem:s12], [sflag:$0x2] =	stream.indirect_vreg.gather [hbm4b:s1+s3], $0x80, v4, vm0, $0xb8;
	[tilespmem:$0x1CC80] =	vst v63  }
0x91: {  	_ = 	snop  }
0x92: {  	[tilespmem:s21], [sflag:$0x2] =	stream.indirect_vreg.gather [hbm4b:s5+s3], $0x80, v4, vm0, $0xb8;
	[tilespmem:$0x1CC80] =	vst v63  }
0x93: {  	s19 =	simm.s32 $0xFC80  }
0x94: {  	[tilespmem:s19], [sflag:$0x2] =	stream.indirect_vreg.gather [hbm4b:s1+s3], $0x80, v3, vm0, $0xb8;
	[tilespmem:$0x1CC80] =	vst v63  }
0x95: {  	s20 =	simm.s32 $0x10480  }
0x96: {  	[tilespmem:s20], [sflag:$0x2] =	stream.indirect_vreg.gather [hbm4b:s5+s3], $0x80, v3, vm0, $0xb8;
	[tilespmem:$0x1CC80] =	vst v63  }
0x97: {  	v3 =	vld [tilespmem:$0x80];
	_ =	sdelay $0x4  }
0x98: {  	v58 =	vshll.u32 v3, $0x2  }
0x99: {  	v3 =	vand.u32 $0x7, v3;
	v4 =	vand.u32 $0xFFFFFFE0, v58  }
0x9a: {  	v3 =	vor.u32 v3, v4  }
0x9b: {  	v4 =	vperm.xlane v3, v0;
	_ =	sdelay $0x1  }
0x9c: {  	v4 =	vadd.s32 v1, v4;
	_ =	sdelay $0x1  }
0x9d: {  	v3 =	vperm.xlane v3, v2;
	_ =	sdelay $0x1  }
0x9e: {  	s19 =	simm.s32 $0x10C80;
	v3 =	vadd.s32 v1, v3  }
0x9f: {  	[tilespmem:s19], [sflag:$0x2] =	stream.indirect_vreg.gather [hbm4b:s1+s3], $0x80, v4, vm0, $0xb8;
	[tilespmem:$0x1CC80] =	vst v63  }
0xa0: {  	s20 =	simm.s32 $0x11480  }
0xa1: {  	[tilespmem:s20], [sflag:$0x2] =	stream.indirect_vreg.gather [hbm4b:s5+s3], $0x80, v4, vm0, $0xb8;
	[tilespmem:$0x1CC80] =	vst v63  }
0xa2: {  	s19 =	simm.s32 $0x11C80  }
0xa3: {  	[tilespmem:s19], [sflag:$0x2] =	stream.indirect_vreg.gather [hbm4b:s1+s3], $0x80, v3, vm0, $0xb8;
	[tilespmem:$0x1CC80] =	vst v63  }
0xa4: {  	s20 =	simm.s32 $0x12480  }
0xa5: {  	[tilespmem:s20], [sflag:$0x2] =	stream.indirect_vreg.gather [hbm4b:s5+s3], $0x80, v3, vm0, $0xb8;
	[tilespmem:$0x1CC80] =	vst v63  }
0xa6: {  	v3 =	vld [tilespmem:$0x90];
	_ =	sdelay $0x4  }
0xa7: {  	v59 =	vshll.u32 v3, $0x2  }
0xa8: {  	v3 =	vand.u32 $0x7, v3;
	v4 =	vand.u32 $0xFFFFFFE0, v59  }
0xa9: {  	v3 =	vor.u32 v3, v4  }
0xaa: {  	v4 =	vperm.xlane v3, v0;
	_ =	sdelay $0x1  }
0xab: {  	v4 =	vadd.s32 v1, v4;
	_ =	sdelay $0x1  }
0xac: {  	v3 =	vperm.xlane v3, v2;
	_ =	sdelay $0x1  }
0xad: {  	s19 =	simm.s32 $0x12C80;
	v3 =	vadd.s32 v1, v3  }
0xae: {  	[tilespmem:s19], [sflag:$0x2] =	stream.indirect_vreg.gather [hbm4b:s1+s3], $0x80, v4, vm0, $0xb8;
	[tilespmem:$0x1CC80] =	vst v63  }
0xaf: {  	s20 =	simm.s32 $0x13480  }
0xb0: {  	[tilespmem:s20], [sflag:$0x2] =	stream.indirect_vreg.gather [hbm4b:s5+s3], $0x80, v4, vm0, $0xb8;
	[tilespmem:$0x1CC80] =	vst v63  }
0xb1: {  	_ = 	snop  }
0xb2: {  	[tilespmem:s22], [sflag:$0x2] =	stream.indirect_vreg.gather [hbm4b:s1+s3], $0x80, v3, vm0, $0xb8;
	[tilespmem:$0x1CC80] =	vst v63  }
0xb3: {  	_ = 	snop  }
0xb4: {  	[tilespmem:s23], [sflag:$0x2] =	stream.indirect_vreg.gather [hbm4b:s5+s3], $0x80, v3, vm0, $0xb8;
	[tilespmem:$0x1CC80] =	vst v63  }
0xb5: {  	v3 =	vld [tilespmem:$0xA0];
	_ =	sdelay $0x4  }
0xb6: {  	v60 =	vshll.u32 v3, $0x2  }
0xb7: {  	v3 =	vand.u32 $0x7, v3;
	v4 =	vand.u32 $0xFFFFFFE0, v60  }
0xb8: {  	v3 =	vor.u32 v3, v4  }
0xb9: {  	v4 =	vperm.xlane v3, v0;
	_ =	sdelay $0x1  }
0xba: {  	v4 =	vadd.s32 v1, v4;
	_ =	sdelay $0x1  }
0xbb: {  	v3 =	vperm.xlane v3, v2;
	_ =	sdelay $0x1  }
0xbc: {  	v3 =	vadd.s32 v1, v3  }
0xbd: {  	[tilespmem:s24], [sflag:$0x2] =	stream.indirect_vreg.gather [hbm4b:s1+s3], $0x80, v4, vm0, $0xb8;
	[tilespmem:$0x1CC80] =	vst v63  }
0xbe: {  	_ = 	snop  }
0xbf: {  	[tilespmem:s25], [sflag:$0x2] =	stream.indirect_vreg.gather [hbm4b:s5+s3], $0x80, v4, vm0, $0xb8;
	[tilespmem:$0x1CC80] =	vst v63  }
0xc0: {  	_ = 	snop  }
0xc1: {  	[tilespmem:s26], [sflag:$0x2] =	stream.indirect_vreg.gather [hbm4b:s1+s3], $0x80, v3, vm0, $0xb8;
	[tilespmem:$0x1CC80] =	vst v63  }
0xc2: {  	_ = 	snop  }
0xc3: {  	[tilespmem:s28], [sflag:$0x2] =	stream.indirect_vreg.gather [hbm4b:s5+s3], $0x80, v3, vm0, $0xb8;
	[tilespmem:$0x1CC80] =	vst v63  }
0xc4: {  	v3 =	vld [tilespmem:$0xB0];
	_ =	sdelay $0x4  }
0xc5: {  	v61 =	vshll.u32 v3, $0x2  }
0xc6: {  	v3 =	vand.u32 $0x7, v3;
	v4 =	vand.u32 $0xFFFFFFE0, v61  }
0xc7: {  	v3 =	vor.u32 v3, v4  }
0xc8: {  	v4 =	vperm.xlane v3, v0;
	_ =	sdelay $0x1  }
0xc9: {  	v4 =	vadd.s32 v1, v4;
	_ =	sdelay $0x1  }
0xca: {  	v3 =	vperm.xlane v3, v2;
	_ =	sdelay $0x1  }
0xcb: {  	v3 =	vadd.s32 v1, v3  }
0xcc: {  	[tilespmem:s29], [sflag:$0x2] =	stream.indirect_vreg.gather [hbm4b:s1+s3], $0x80, v4, vm0, $0xb8;
	[tilespmem:$0x1CC80] =	vst v63  }
0xcd: {  	_ = 	snop  }
0xce: {  	[tilespmem:s30], [sflag:$0x2] =	stream.indirect_vreg.gather [hbm4b:s5+s3], $0x80, v4, vm0, $0xb8;
	[tilespmem:$0x1CC80] =	vst v63  }
0xcf: {  	_ = 	snop  }
0xd0: {  	[tilespmem:s31], [sflag:$0x2] =	stream.indirect_vreg.gather [hbm4b:s1+s3], $0x80, v3, vm0, $0xb8;
	[tilespmem:$0x1CC80] =	vst v63  }
0xd1: {  	_ = 	snop  }
0xd2: {  	[tilespmem:s2], [sflag:$0x2] =	stream.indirect_vreg.gather [hbm4b:s5+s3], $0x80, v3, vm0, $0xb8;
	[tilespmem:$0x1CC80] =	vst v63  }
0xd3: {  	v3 =	vld [tilespmem:$0xC0];
	_ =	sdelay $0x4  }
0xd4: {  	v62 =	vshll.u32 v3, $0x2  }
0xd5: {  	v3 =	vand.u32 $0x7, v3;
	v4 =	vand.u32 $0xFFFFFFE0, v62  }
0xd6: {  	v3 =	vor.u32 v3, v4  }
0xd7: {  	v4 =	vperm.xlane v3, v0;
	_ =	sdelay $0x1  }
0xd8: {  	v4 =	vadd.s32 v1, v4;
	_ =	sdelay $0x1  }
0xd9: {  	v3 =	vperm.xlane v3, v2;
	_ =	sdelay $0x1  }
0xda: {  	v3 =	vadd.s32 v1, v3  }
0xdb: {  	[tilespmem:s0], [sflag:$0x2] =	stream.indirect_vreg.gather [hbm4b:s1+s3], $0x80, v4, vm0, $0xb8;
	[tilespmem:$0x1CC80] =	vst v63  }
0xdc: {  	_ = 	snop  }
0xdd: {  	[tilespmem:s4], [sflag:$0x2] =	stream.indirect_vreg.gather [hbm4b:s5+s3], $0x80, v4, vm0, $0xb8;
	[tilespmem:$0x1CC80] =	vst v63  }
0xde: {  	_ = 	snop  }
0xdf: {  	[tilespmem:s6], [sflag:$0x2] =	stream.indirect_vreg.gather [hbm4b:s1+s3], $0x80, v3, vm0, $0xb8;
	[tilespmem:$0x1CC80] =	vst v63  }
0xe0: {  	_ = 	snop  }
0xe1: {  	[tilespmem:s10], [sflag:$0x2] =	stream.indirect_vreg.gather [hbm4b:s5+s3], $0x80, v3, vm0, $0xb8;
	[tilespmem:$0x1CC80] =	vst v63  }
0xe2: {  	v3 =	vld [tilespmem:$0xD0];
	_ =	sdelay $0x4  }
0xe3: {  	v63 =	vshll.u32 v3, $0x2  }
0xe4: {  	v3 =	vand.u32 $0x7, v3;
	v4 =	vand.u32 $0xFFFFFFE0, v63  }
0xe5: {  	v3 =	vor.u32 v3, v4  }
0xe6: {  	v4 =	vperm.xlane v3, v0;
	_ =	sdelay $0x1  }
0xe7: {  	v4 =	vadd.s32 v1, v4;
	_ =	sdelay $0x1  }
0xe8: {  	v3 =	vperm.xlane v3, v2;
	_ =	sdelay $0x1  }
0xe9: {  	v3 =	vadd.s32 v1, v3  }
0xea: {  	[tilespmem:s11], [sflag:$0x2] =	stream.indirect_vreg.gather [hbm4b:s1+s3], $0x80, v4, vm0, $0xb8;
	[tilespmem:$0x1CC80] =	vst v63  }
0xeb: {  	_ = 	snop  }
0xec: {  	[tilespmem:s13], [sflag:$0x2] =	stream.indirect_vreg.gather [hbm4b:s5+s3], $0x80, v4, vm0, $0xb8;
	[tilespmem:$0x1CC80] =	vst v63  }
0xed: {  	_ = 	snop  }
0xee: {  	[tilespmem:s14], [sflag:$0x2] =	stream.indirect_vreg.gather [hbm4b:s1+s3], $0x80, v3, vm0, $0xb8;
	[tilespmem:$0x1CC80] =	vst v63  }
0xef: {  	s18 =	simm.s32 $0x1B0;
	s19 =	simm.s32 $0x0  }
0xf0: {  	[tilespmem:s15], [sflag:$0x2] =	stream.indirect_vreg.gather [hbm4b:s5+s3], $0x80, v3, vm0, $0xb8;
	[tilespmem:$0x1CC80] =	vst v63  }
.LBB2_2:
0xf1: {  	_ =	swait.ge [sflag:s16], $0xE000  }
0xf2: {  	p0 =	seq.s32 s19, $0x2D800;
	[sflag:s16] =	ssyncset.done $0x0  }
.Ltmp2:
0xf3: {  	s20 =	sadd.s32 s19, s7;
	[sflag:s16] =	ssyncadd.s32 $0xFFFF2000;
	(pc) =	sbr.rel @p0 .LBB2_4-.Ltmp2, $4  }
0xf4: {  	[hbm4b:s20+s3] =	stream.linear.scatter [tilespmem:s9], [sflag:$0x3], $0xE000, $0x38;
	[tilespmem:$0x1CC80] =	vst v63  }
0xf5: {  	_ =	swait.ge [sflag:s8], $0xE000  }
0xf6: {  	[sflag:s8] =	ssyncset.done $0x0  }
0xf7: {  	[sflag:s8] =	ssyncadd.s32 $0xFFFF2000  }
0xf8: {  	v3 =	vld [tilespmem:s18+$0xFFFFFF30];
	_ =	sdelay $0x4  }
0xf9: {  	v4 =	vshll.u32 v3, $0x2  }
0xfa: {  	v3 =	vand.u32 $0x7, v3;
	v4 =	vand.u32 $0xFFFFFFE0, v4  }
0xfb: {  	v3 =	vor.u32 v3, v4  }
0xfc: {  	v4 =	vperm.xlane v3, v0;
	_ =	sdelay $0x1  }
0xfd: {  	v4 =	vadd.s32 v1, v4;
	_ =	sdelay $0x1  }
0xfe: {  	v3 =	vperm.xlane v3, v2;
	_ =	sdelay $0x1  }
0xff: {  	v3 =	vadd.s32 v1, v3  }
0x100: {  	[tilespmem:s9], [sflag:$0x1] =	stream.indirect_vreg.gather [hbm4b:s1+s3], $0x80, v4, vm0, $0xb8;
	[tilespmem:$0x1CC80] =	vst v63  }
0x101: {  	s21 =	simm.s32 $0x1480  }
0x102: {  	[tilespmem:s21], [sflag:$0x1] =	stream.indirect_vreg.gather [hbm4b:s5+s3], $0x80, v4, vm0, $0xb8;
	[tilespmem:$0x1CC80] =	vst v63  }
0x103: {  	s21 =	simm.s32 $0x1C80  }
0x104: {  	[tilespmem:s21], [sflag:$0x1] =	stream.indirect_vreg.gather [hbm4b:s1+s3], $0x80, v3, vm0, $0xb8;
	[tilespmem:$0x1CC80] =	vst v63  }
0x105: {  	s21 =	simm.s32 $0x2480  }
0x106: {  	[tilespmem:s21], [sflag:$0x1] =	stream.indirect_vreg.gather [hbm4b:s5+s3], $0x80, v3, vm0, $0xb8;
	[tilespmem:$0x1CC80] =	vst v63  }
0x107: {  	v3 =	vld [tilespmem:s18+$0xFFFFFF40];
	_ =	sdelay $0x4  }
0x108: {  	v58 =	vshll.u32 v3, $0x2  }
0x109: {  	v3 =	vand.u32 $0x7, v3;
	v4 =	vand.u32 $0xFFFFFFE0, v58  }
0x10a: {  	v3 =	vor.u32 v3, v4  }
0x10b: {  	v4 =	vperm.xlane v3, v0;
	_ =	sdelay $0x1  }
0x10c: {  	v4 =	vadd.s32 v1, v4;
	_ =	sdelay $0x1  }
0x10d: {  	v3 =	vperm.xlane v3, v2;
	_ =	sdelay $0x1  }
0x10e: {  	s21 =	simm.s32 $0x2C80;
	v3 =	vadd.s32 v1, v3  }
0x10f: {  	[tilespmem:s21], [sflag:$0x1] =	stream.indirect_vreg.gather [hbm4b:s1+s3], $0x80, v4, vm0, $0xb8;
	[tilespmem:$0x1CC80] =	vst v63  }
0x110: {  	s21 =	simm.s32 $0x3480  }
0x111: {  	[tilespmem:s21], [sflag:$0x1] =	stream.indirect_vreg.gather [hbm4b:s5+s3], $0x80, v4, vm0, $0xb8;
	[tilespmem:$0x1CC80] =	vst v63  }
0x112: {  	s21 =	simm.s32 $0x3C80  }
0x113: {  	[tilespmem:s21], [sflag:$0x1] =	stream.indirect_vreg.gather [hbm4b:s1+s3], $0x80, v3, vm0, $0xb8;
	[tilespmem:$0x1CC80] =	vst v63  }
0x114: {  	s21 =	simm.s32 $0x4480  }
0x115: {  	[tilespmem:s21], [sflag:$0x1] =	stream.indirect_vreg.gather [hbm4b:s5+s3], $0x80, v3, vm0, $0xb8;
	[tilespmem:$0x1CC80] =	vst v63  }
0x116: {  	v3 =	vld [tilespmem:s18+$0xFFFFFF50];
	_ =	sdelay $0x4  }
0x117: {  	v59 =	vshll.u32 v3, $0x2  }
0x118: {  	v3 =	vand.u32 $0x7, v3;
	v4 =	vand.u32 $0xFFFFFFE0, v59  }
0x119: {  	v3 =	vor.u32 v3, v4  }
0x11a: {  	v4 =	vperm.xlane v3, v0;
	_ =	sdelay $0x1  }
0x11b: {  	v4 =	vadd.s32 v1, v4;
	_ =	sdelay $0x1  }
0x11c: {  	v3 =	vperm.xlane v3, v2;
	_ =	sdelay $0x1  }
0x11d: {  	s21 =	simm.s32 $0x4C80;
	v3 =	vadd.s32 v1, v3  }
0x11e: {  	[tilespmem:s21], [sflag:$0x1] =	stream.indirect_vreg.gather [hbm4b:s1+s3], $0x80, v4, vm0, $0xb8;
	[tilespmem:$0x1CC80] =	vst v63  }
0x11f: {  	s21 =	simm.s32 $0x5480  }
0x120: {  	[tilespmem:s21], [sflag:$0x1] =	stream.indirect_vreg.gather [hbm4b:s5+s3], $0x80, v4, vm0, $0xb8;
	[tilespmem:$0x1CC80] =	vst v63  }
0x121: {  	s21 =	simm.s32 $0x5C80  }
0x122: {  	[tilespmem:s21], [sflag:$0x1] =	stream.indirect_vreg.gather [hbm4b:s1+s3], $0x80, v3, vm0, $0xb8;
	[tilespmem:$0x1CC80] =	vst v63  }
0x123: {  	s21 =	simm.s32 $0x6480  }
0x124: {  	[tilespmem:s21], [sflag:$0x1] =	stream.indirect_vreg.gather [hbm4b:s5+s3], $0x80, v3, vm0, $0xb8;
	[tilespmem:$0x1CC80] =	vst v63  }
0x125: {  	v3 =	vld [tilespmem:s18+$0xFFFFFF60];
	_ =	sdelay $0x4  }
0x126: {  	v60 =	vshll.u32 v3, $0x2  }
0x127: {  	v3 =	vand.u32 $0x7, v3;
	v4 =	vand.u32 $0xFFFFFFE0, v60  }
0x128: {  	v3 =	vor.u32 v3, v4  }
0x129: {  	v4 =	vperm.xlane v3, v0;
	_ =	sdelay $0x1  }
0x12a: {  	v4 =	vadd.s32 v1, v4;
	_ =	sdelay $0x1  }
0x12b: {  	v3 =	vperm.xlane v3, v2;
	_ =	sdelay $0x1  }
0x12c: {  	s21 =	simm.s32 $0x6C80;
	v3 =	vadd.s32 v1, v3  }
0x12d: {  	[tilespmem:s21], [sflag:$0x1] =	stream.indirect_vreg.gather [hbm4b:s1+s3], $0x80, v4, vm0, $0xb8;
	[tilespmem:$0x1CC80] =	vst v63  }
0x12e: {  	s21 =	simm.s32 $0x7480  }
0x12f: {  	[tilespmem:s21], [sflag:$0x1] =	stream.indirect_vreg.gather [hbm4b:s5+s3], $0x80, v4, vm0, $0xb8;
	[tilespmem:$0x1CC80] =	vst v63  }
0x130: {  	s21 =	simm.s32 $0x7C80  }
0x131: {  	[tilespmem:s21], [sflag:$0x1] =	stream.indirect_vreg.gather [hbm4b:s1+s3], $0x80, v3, vm0, $0xb8;
	[tilespmem:$0x1CC80] =	vst v63  }
0x132: {  	s21 =	simm.s32 $0x8480  }
0x133: {  	[tilespmem:s21], [sflag:$0x1] =	stream.indirect_vreg.gather [hbm4b:s5+s3], $0x80, v3, vm0, $0xb8;
	[tilespmem:$0x1CC80] =	vst v63  }
0x134: {  	v3 =	vld [tilespmem:s18+$0xFFFFFF70];
	_ =	sdelay $0x4  }
0x135: {  	v61 =	vshll.u32 v3, $0x2  }
0x136: {  	v3 =	vand.u32 $0x7, v3;
	v4 =	vand.u32 $0xFFFFFFE0, v61  }
0x137: {  	v3 =	vor.u32 v3, v4  }
0x138: {  	v4 =	vperm.xlane v3, v0;
	_ =	sdelay $0x1  }
0x139: {  	v4 =	vadd.s32 v1, v4;
	_ =	sdelay $0x1  }
0x13a: {  	v3 =	vperm.xlane v3, v2;
	_ =	sdelay $0x1  }
0x13b: {  	s21 =	simm.s32 $0x8C80;
	v3 =	vadd.s32 v1, v3  }
0x13c: {  	[tilespmem:s21], [sflag:$0x1] =	stream.indirect_vreg.gather [hbm4b:s1+s3], $0x80, v4, vm0, $0xb8;
	[tilespmem:$0x1CC80] =	vst v63  }
0x13d: {  	s21 =	simm.s32 $0x9480  }
0x13e: {  	[tilespmem:s21], [sflag:$0x1] =	stream.indirect_vreg.gather [hbm4b:s5+s3], $0x80, v4, vm0, $0xb8;
	[tilespmem:$0x1CC80] =	vst v63  }
0x13f: {  	s21 =	simm.s32 $0x9C80  }
0x140: {  	[tilespmem:s21], [sflag:$0x1] =	stream.indirect_vreg.gather [hbm4b:s1+s3], $0x80, v3, vm0, $0xb8;
	[tilespmem:$0x1CC80] =	vst v63  }
0x141: {  	s21 =	simm.s32 $0xA480  }
0x142: {  	[tilespmem:s21], [sflag:$0x1] =	stream.indirect_vreg.gather [hbm4b:s5+s3], $0x80, v3, vm0, $0xb8;
	[tilespmem:$0x1CC80] =	vst v63  }
0x143: {  	v3 =	vld [tilespmem:s18+$0xFFFFFF80];
	_ =	sdelay $0x4  }
0x144: {  	v62 =	vshll.u32 v3, $0x2  }
0x145: {  	v3 =	vand.u32 $0x7, v3;
	v4 =	vand.u32 $0xFFFFFFE0, v62  }
0x146: {  	v3 =	vor.u32 v3, v4  }
0x147: {  	v4 =	vperm.xlane v3, v0;
	_ =	sdelay $0x1  }
0x148: {  	v4 =	vadd.s32 v1, v4;
	_ =	sdelay $0x1  }
0x149: {  	v3 =	vperm.xlane v3, v2;
	_ =	sdelay $0x1  }
0x14a: {  	s21 =	simm.s32 $0xAC80;
	v3 =	vadd.s32 v1, v3  }
0x14b: {  	[tilespmem:s21], [sflag:$0x1] =	stream.indirect_vreg.gather [hbm4b:s1+s3], $0x80, v4, vm0, $0xb8;
	[tilespmem:$0x1CC80] =	vst v63  }
0x14c: {  	s21 =	simm.s32 $0xB480  }
0x14d: {  	[tilespmem:s21], [sflag:$0x1] =	stream.indirect_vreg.gather [hbm4b:s5+s3], $0x80, v4, vm0, $0xb8;
	[tilespmem:$0x1CC80] =	vst v63  }
0x14e: {  	s21 =	simm.s32 $0xBC80  }
0x14f: {  	[tilespmem:s21], [sflag:$0x1] =	stream.indirect_vreg.gather [hbm4b:s1+s3], $0x80, v3, vm0, $0xb8;
	[tilespmem:$0x1CC80] =	vst v63  }
0x150: {  	s21 =	simm.s32 $0xC480  }
0x151: {  	[tilespmem:s21], [sflag:$0x1] =	stream.indirect_vreg.gather [hbm4b:s5+s3], $0x80, v3, vm0, $0xb8;
	[tilespmem:$0x1CC80] =	vst v63  }
0x152: {  	v3 =	vld [tilespmem:s18+$0xFFFFFF90];
	_ =	sdelay $0x4  }
0x153: {  	v63 =	vshll.u32 v3, $0x2  }
0x154: {  	v3 =	vand.u32 $0x7, v3;
	v4 =	vand.u32 $0xFFFFFFE0, v63  }
0x155: {  	v3 =	vor.u32 v3, v4  }
0x156: {  	v4 =	vperm.xlane v3, v0;
	_ =	sdelay $0x1  }
0x157: {  	v4 =	vadd.s32 v1, v4;
	_ =	sdelay $0x1  }
0x158: {  	v3 =	vperm.xlane v3, v2;
	_ =	sdelay $0x1  }
0x159: {  	s21 =	simm.s32 $0xCC80;
	v3 =	vadd.s32 v1, v3  }
0x15a: {  	[tilespmem:s21], [sflag:$0x1] =	stream.indirect_vreg.gather [hbm4b:s1+s3], $0x80, v4, vm0, $0xb8;
	[tilespmem:$0x1CC80] =	vst v63  }
0x15b: {  	s21 =	simm.s32 $0xD480  }
0x15c: {  	[tilespmem:s21], [sflag:$0x1] =	stream.indirect_vreg.gather [hbm4b:s5+s3], $0x80, v4, vm0, $0xb8;
	[tilespmem:$0x1CC80] =	vst v63  }
0x15d: {  	s21 =	simm.s32 $0xDC80  }
0x15e: {  	[tilespmem:s21], [sflag:$0x1] =	stream.indirect_vreg.gather [hbm4b:s1+s3], $0x80, v3, vm0, $0xb8;
	[tilespmem:$0x1CC80] =	vst v63  }
0x15f: {  	s21 =	simm.s32 $0xE480  }
0x160: {  	[tilespmem:s21], [sflag:$0x1] =	stream.indirect_vreg.gather [hbm4b:s5+s3], $0x80, v3, vm0, $0xb8;
	[tilespmem:$0x1CC80] =	vst v63  }
0x161: {  	s21 =	simm.s32 $0xF480  }
.LBB2_4:
0x162: {  	_ =	swait.ge [sflag:s17], $0xE000  }
0x163: {  	[sflag:s17] =	ssyncset.done $0x0  }
.Ltmp3:
0x164: {  	s20 =	sadd.s32 $0x1C00, s20;
	[sflag:s17] =	ssyncadd.s32 $0xFFFF2000;
	(pc) =	sbr.rel @p0 .LBB2_6-.Ltmp3, $4  }
0x165: {  	[hbm4b:s20+s3] =	stream.linear.scatter [tilespmem:s12], [sflag:$0x3], $0xE000, $0x38;
	[tilespmem:$0x1CC80] =	vst v63  }
0x166: {  	_ =	swait.ge [sflag:s8], $0xE000  }
0x167: {  	[sflag:s8] =	ssyncset.done $0x0  }
0x168: {  	[sflag:s8] =	ssyncadd.s32 $0xFFFF2000  }
0x169: {  	v3 =	vld [tilespmem:s18+$0xFFFFFFA0];
	_ =	sdelay $0x4  }
0x16a: {  	v4 =	vshll.u32 v3, $0x2  }
0x16b: {  	v3 =	vand.u32 $0x7, v3;
	v4 =	vand.u32 $0xFFFFFFE0, v4  }
0x16c: {  	v3 =	vor.u32 v3, v4  }
0x16d: {  	v4 =	vperm.xlane v3, v0;
	_ =	sdelay $0x1  }
0x16e: {  	v4 =	vadd.s32 v1, v4;
	_ =	sdelay $0x1  }
0x16f: {  	v3 =	vperm.xlane v3, v2;
	_ =	sdelay $0x1  }
0x170: {  	v3 =	vadd.s32 v1, v3  }
0x171: {  	[tilespmem:s12], [sflag:$0x2] =	stream.indirect_vreg.gather [hbm4b:s1+s3], $0x80, v4, vm0, $0xb8;
	[tilespmem:$0x1CC80] =	vst v63  }
0x172: {  	_ = 	snop  }
0x173: {  	[tilespmem:s21], [sflag:$0x2] =	stream.indirect_vreg.gather [hbm4b:s5+s3], $0x80, v4, vm0, $0xb8;
	[tilespmem:$0x1CC80] =	vst v63  }
0x174: {  	s20 =	simm.s32 $0xFC80  }
0x175: {  	[tilespmem:s20], [sflag:$0x2] =	stream.indirect_vreg.gather [hbm4b:s1+s3], $0x80, v3, vm0, $0xb8;
	[tilespmem:$0x1CC80] =	vst v63  }
0x176: {  	s20 =	simm.s32 $0x10480  }
0x177: {  	[tilespmem:s20], [sflag:$0x2] =	stream.indirect_vreg.gather [hbm4b:s5+s3], $0x80, v3, vm0, $0xb8;
	[tilespmem:$0x1CC80] =	vst v63  }
0x178: {  	v3 =	vld [tilespmem:s18+$0xFFFFFFB0];
	_ =	sdelay $0x4  }
0x179: {  	v58 =	vshll.u32 v3, $0x2  }
0x17a: {  	v3 =	vand.u32 $0x7, v3;
	v4 =	vand.u32 $0xFFFFFFE0, v58  }
0x17b: {  	v3 =	vor.u32 v3, v4  }
0x17c: {  	v4 =	vperm.xlane v3, v0;
	_ =	sdelay $0x1  }
0x17d: {  	v4 =	vadd.s32 v1, v4;
	_ =	sdelay $0x1  }
0x17e: {  	v3 =	vperm.xlane v3, v2;
	_ =	sdelay $0x1  }
0x17f: {  	s20 =	simm.s32 $0x10C80;
	v3 =	vadd.s32 v1, v3  }
0x180: {  	[tilespmem:s20], [sflag:$0x2] =	stream.indirect_vreg.gather [hbm4b:s1+s3], $0x80, v4, vm0, $0xb8;
	[tilespmem:$0x1CC80] =	vst v63  }
0x181: {  	s20 =	simm.s32 $0x11480  }
0x182: {  	[tilespmem:s20], [sflag:$0x2] =	stream.indirect_vreg.gather [hbm4b:s5+s3], $0x80, v4, vm0, $0xb8;
	[tilespmem:$0x1CC80] =	vst v63  }
0x183: {  	s20 =	simm.s32 $0x11C80  }
0x184: {  	[tilespmem:s20], [sflag:$0x2] =	stream.indirect_vreg.gather [hbm4b:s1+s3], $0x80, v3, vm0, $0xb8;
	[tilespmem:$0x1CC80] =	vst v63  }
0x185: {  	s20 =	simm.s32 $0x12480  }
0x186: {  	[tilespmem:s20], [sflag:$0x2] =	stream.indirect_vreg.gather [hbm4b:s5+s3], $0x80, v3, vm0, $0xb8;
	[tilespmem:$0x1CC80] =	vst v63  }
0x187: {  	v3 =	vld [tilespmem:s18+$0xFFFFFFC0];
	_ =	sdelay $0x4  }
0x188: {  	v59 =	vshll.u32 v3, $0x2  }
0x189: {  	v3 =	vand.u32 $0x7, v3;
	v4 =	vand.u32 $0xFFFFFFE0, v59  }
0x18a: {  	v3 =	vor.u32 v3, v4  }
0x18b: {  	v4 =	vperm.xlane v3, v0;
	_ =	sdelay $0x1  }
0x18c: {  	v4 =	vadd.s32 v1, v4;
	_ =	sdelay $0x1  }
0x18d: {  	v3 =	vperm.xlane v3, v2;
	_ =	sdelay $0x1  }
0x18e: {  	s20 =	simm.s32 $0x12C80;
	v3 =	vadd.s32 v1, v3  }
0x18f: {  	[tilespmem:s20], [sflag:$0x2] =	stream.indirect_vreg.gather [hbm4b:s1+s3], $0x80, v4, vm0, $0xb8;
	[tilespmem:$0x1CC80] =	vst v63  }
0x190: {  	s20 =	simm.s32 $0x13480  }
0x191: {  	[tilespmem:s20], [sflag:$0x2] =	stream.indirect_vreg.gather [hbm4b:s5+s3], $0x80, v4, vm0, $0xb8;
	[tilespmem:$0x1CC80] =	vst v63  }
0x192: {  	_ = 	snop  }
0x193: {  	[tilespmem:s22], [sflag:$0x2] =	stream.indirect_vreg.gather [hbm4b:s1+s3], $0x80, v3, vm0, $0xb8;
	[tilespmem:$0x1CC80] =	vst v63  }
0x194: {  	_ = 	snop  }
0x195: {  	[tilespmem:s23], [sflag:$0x2] =	stream.indirect_vreg.gather [hbm4b:s5+s3], $0x80, v3, vm0, $0xb8;
	[tilespmem:$0x1CC80] =	vst v63  }
0x196: {  	v3 =	vld [tilespmem:s18+$0xFFFFFFD0];
	_ =	sdelay $0x4  }
0x197: {  	v60 =	vshll.u32 v3, $0x2  }
0x198: {  	v3 =	vand.u32 $0x7, v3;
	v4 =	vand.u32 $0xFFFFFFE0, v60  }
0x199: {  	v3 =	vor.u32 v3, v4  }
0x19a: {  	v4 =	vperm.xlane v3, v0;
	_ =	sdelay $0x1  }
0x19b: {  	v4 =	vadd.s32 v1, v4;
	_ =	sdelay $0x1  }
0x19c: {  	v3 =	vperm.xlane v3, v2;
	_ =	sdelay $0x1  }
0x19d: {  	v3 =	vadd.s32 v1, v3  }
0x19e: {  	[tilespmem:s24], [sflag:$0x2] =	stream.indirect_vreg.gather [hbm4b:s1+s3], $0x80, v4, vm0, $0xb8;
	[tilespmem:$0x1CC80] =	vst v63  }
0x19f: {  	_ = 	snop  }
0x1a0: {  	[tilespmem:s25], [sflag:$0x2] =	stream.indirect_vreg.gather [hbm4b:s5+s3], $0x80, v4, vm0, $0xb8;
	[tilespmem:$0x1CC80] =	vst v63  }
0x1a1: {  	_ = 	snop  }
0x1a2: {  	[tilespmem:s26], [sflag:$0x2] =	stream.indirect_vreg.gather [hbm4b:s1+s3], $0x80, v3, vm0, $0xb8;
	[tilespmem:$0x1CC80] =	vst v63  }
0x1a3: {  	_ = 	snop  }
0x1a4: {  	[tilespmem:s28], [sflag:$0x2] =	stream.indirect_vreg.gather [hbm4b:s5+s3], $0x80, v3, vm0, $0xb8;
	[tilespmem:$0x1CC80] =	vst v63  }
0x1a5: {  	v3 =	vld [tilespmem:s18+$0xFFFFFFE0];
	_ =	sdelay $0x4  }
0x1a6: {  	v61 =	vshll.u32 v3, $0x2  }
0x1a7: {  	v3 =	vand.u32 $0x7, v3;
	v4 =	vand.u32 $0xFFFFFFE0, v61  }
0x1a8: {  	v3 =	vor.u32 v3, v4  }
0x1a9: {  	v4 =	vperm.xlane v3, v0;
	_ =	sdelay $0x1  }
0x1aa: {  	v4 =	vadd.s32 v1, v4;
	_ =	sdelay $0x1  }
0x1ab: {  	v3 =	vperm.xlane v3, v2;
	_ =	sdelay $0x1  }
0x1ac: {  	v3 =	vadd.s32 v1, v3  }
0x1ad: {  	[tilespmem:s29], [sflag:$0x2] =	stream.indirect_vreg.gather [hbm4b:s1+s3], $0x80, v4, vm0, $0xb8;
	[tilespmem:$0x1CC80] =	vst v63  }
0x1ae: {  	_ = 	snop  }
0x1af: {  	[tilespmem:s30], [sflag:$0x2] =	stream.indirect_vreg.gather [hbm4b:s5+s3], $0x80, v4, vm0, $0xb8;
	[tilespmem:$0x1CC80] =	vst v63  }
0x1b0: {  	_ = 	snop  }
0x1b1: {  	[tilespmem:s31], [sflag:$0x2] =	stream.indirect_vreg.gather [hbm4b:s1+s3], $0x80, v3, vm0, $0xb8;
	[tilespmem:$0x1CC80] =	vst v63  }
0x1b2: {  	_ = 	snop  }
0x1b3: {  	[tilespmem:s2], [sflag:$0x2] =	stream.indirect_vreg.gather [hbm4b:s5+s3], $0x80, v3, vm0, $0xb8;
	[tilespmem:$0x1CC80] =	vst v63  }
0x1b4: {  	v3 =	vld [tilespmem:s18+$0xFFFFFFF0];
	_ =	sdelay $0x4  }
0x1b5: {  	v62 =	vshll.u32 v3, $0x2  }
0x1b6: {  	v3 =	vand.u32 $0x7, v3;
	v4 =	vand.u32 $0xFFFFFFE0, v62  }
0x1b7: {  	v3 =	vor.u32 v3, v4  }
0x1b8: {  	v4 =	vperm.xlane v3, v0;
	_ =	sdelay $0x1  }
0x1b9: {  	v4 =	vadd.s32 v1, v4;
	_ =	sdelay $0x1  }
0x1ba: {  	v3 =	vperm.xlane v3, v2;
	_ =	sdelay $0x1  }
0x1bb: {  	v3 =	vadd.s32 v1, v3  }
0x1bc: {  	[tilespmem:s0], [sflag:$0x2] =	stream.indirect_vreg.gather [hbm4b:s1+s3], $0x80, v4, vm0, $0xb8;
	[tilespmem:$0x1CC80] =	vst v63  }
0x1bd: {  	_ = 	snop  }
0x1be: {  	[tilespmem:s4], [sflag:$0x2] =	stream.indirect_vreg.gather [hbm4b:s5+s3], $0x80, v4, vm0, $0xb8;
	[tilespmem:$0x1CC80] =	vst v63  }
0x1bf: {  	_ = 	snop  }
0x1c0: {  	[tilespmem:s6], [sflag:$0x2] =	stream.indirect_vreg.gather [hbm4b:s1+s3], $0x80, v3, vm0, $0xb8;
	[tilespmem:$0x1CC80] =	vst v63  }
0x1c1: {  	_ = 	snop  }
0x1c2: {  	[tilespmem:s10], [sflag:$0x2] =	stream.indirect_vreg.gather [hbm4b:s5+s3], $0x80, v3, vm0, $0xb8;
	[tilespmem:$0x1CC80] =	vst v63  }
0x1c3: {  	v3 =	vld [tilespmem:s18+$0x0];
	_ =	sdelay $0x4  }
0x1c4: {  	v63 =	vshll.u32 v3, $0x2  }
0x1c5: {  	v3 =	vand.u32 $0x7, v3;
	v4 =	vand.u32 $0xFFFFFFE0, v63  }
0x1c6: {  	v3 =	vor.u32 v3, v4  }
0x1c7: {  	v4 =	vperm.xlane v3, v0;
	_ =	sdelay $0x1  }
0x1c8: {  	v4 =	vadd.s32 v1, v4;
	_ =	sdelay $0x2  }
0x1c9: {  	v3 =	vperm.xlane v3, v2;
	_ =	sdelay $0x1  }
0x1ca: {  	v3 =	vadd.s32 v1, v3;
	[tilespmem:s11], [sflag:$0x2] =	stream.indirect_vreg.gather [hbm4b:s1+s3], $0x80, v4, vm0, $0xb8;
	[tilespmem:$0x1CC80] =	vst v63  }
0x1cb: {  	_ = 	snop  }
0x1cc: {  	[tilespmem:s13], [sflag:$0x2] =	stream.indirect_vreg.gather [hbm4b:s5+s3], $0x80, v4, vm0, $0xb8;
	[tilespmem:$0x1CC80] =	vst v63  }
.Ltmp4:
0x1cd: {  	_ = 	snop;
	(pc) =	sbr.rel .LBB2_2-.Ltmp4, $4  }
0x1ce: {  	_ = 	snop  }
0x1cf: {  	[tilespmem:s14], [sflag:$0x2] =	stream.indirect_vreg.gather [hbm4b:s1+s3], $0x80, v3, vm0, $0xb8;
	[tilespmem:$0x1CC80] =	vst v63  }
0x1d0: {  	s19 =	sadd.s32 $0x3800, s19;
	s18 =	sadd.s32 $0xE0, s18  }
0x1d1: {  	[tilespmem:s15], [sflag:$0x2] =	stream.indirect_vreg.gather [hbm4b:s5+s3], $0x80, v3, vm0, $0xb8;
	[tilespmem:$0x1CC80] =	vst v63  }
.LBB2_7:
0x1d2: {  	_ =	sfence.sel $0x180000  }
0x1d3: {  	[bflag:$0x0] =	sbarrier.arrive $0xFFFF  }
0x1d4: {  	_ =	strace $0x90000047  }
0x1d5: {  	s0 =	stileid.u32;
	[bflag:$0x2] =	sbarrier.arrive $0xFFFF  }
0x1d6: {  	p0 =	sne.s32 s0, $0x0;
	s0 =	rddreg [dreg:$0x3]  }
0x1d7: {  	s0 =	sadd.s32 @!p0 $0x100000, s0  }
0x1d8: {  	[sflag:s0] =	ssyncadd.tile.s32 @!p0 $0x1;
	_ =	shalt  }
.Lfunc_end2:
_tile_overlayer_lowered:
.L_overlay_start_2:
0x1d9: {  	(tag) =	ssettag $0x2  }
0x1da: {  	s0 =	rddreg [dreg:$0x0];
	s2 =	stileid.u32  }
0x1db: {  	s1 =	rddreg [dreg:$0x1];
	p0 =	sne.s32 s2, $0x0  }
0x1dc: {  	s3 =	rddreg [dreg:$0x2];
	[bflag:$0x3] =	sbarrier.arrive $0xFFFF;
	s2 =	simm.s32 @!p0 $0x1C03  }
0x1dd: {  	[timem:s3], [sflag:s2] =	dma.local @!p0 [hbm:s0], s1  }
0x1de: {  	s0 =	simm.s32 @!p0 $0x3  }
0x1df: {  	_ =	swait.ge @!p0 [sflag:s0], s1  }
0x1e0: {  	s1 =	ssub.s32 @!p0 $0x0, s1;
	[sflag:s0] =	ssyncset.done @!p0 $0x0  }
0x1e1: {  	[sflag:s0] =	ssyncadd.s32 @!p0 s1  }
0x1e2: {  	[bflag:$0x3] =	sbarrier.arrive $0xFFFF  }
0x1e3: {  	_ =	shalt  }

</sc_bundles>
